<compile_context>
chip_gen: v7x
topology: tpu7x:2x2x1
jax: 0.10.2.dev20260603
libtpu: 0.0.44.dev20260713+nightly
codegen_flags: <defaults>
</compile_context>

<pallas_src>
import jax
import jax.numpy as jnp
from jax import lax
from jax.experimental import pallas as pl
from jax.experimental.pallas import tpu as pltpu
from jax.experimental.pallas import tpu_sc as plsc

H = 32
W = 32
D2 = 384
L = 16
VECS = D2 // L
NC = 2
NS = 16


def _emb_body(row_hbm, col_hbm, out_hbm, rvec, oblk, csem, rsem):
    c = lax.axis_index("c")
    s = lax.axis_index("s")
    w = s * NC + c

    rcp = pltpu.async_copy(row_hbm.at[w], rvec, rsem)
    ccp = pltpu.async_copy(col_hbm, oblk.at[:, pl.ds(D2, D2)], csem)
    rcp.wait()

    rv = [rvec[pl.ds(k * L, L)] for k in range(VECS)]

    def body_j(j, carry):
        for k in range(VECS):
            oblk[j, pl.ds(k * L, L)] = rv[k]
            oblk[j + W // 2, pl.ds(k * L, L)] = rv[k]
        return carry

    lax.fori_loop(0, W // 2, body_j, 0)

    ccp.wait()
    pltpu.sync_copy(oblk, out_hbm.at[pl.ds(w * W, W)])


def kernel(row_emb, col_emb, h, w):
    mesh = plsc.VectorSubcoreMesh(core_axis_name="c", subcore_axis_name="s")
    f = pl.kernel(
        _emb_body,
        mesh=mesh,
        out_type=jax.ShapeDtypeStruct((H * W, 2 * D2), jnp.float32),
        scratch_types=[
            pltpu.VMEM((D2,), jnp.float32),
            pltpu.VMEM((W, 2 * D2), jnp.float32),
            pltpu.SemaphoreType.DMA,
            pltpu.SemaphoreType.DMA,
        ],
    )
    return f(row_emb, col_emb)

# --- scband reference (transcript-rebuilt; emitter-appended) ---
"""Pipeline reference for scband-learned-pos-emb2-d-39719857553748 (READ-ONLY COPY).

The authoritative reference and input builder live on the scoring server;
editing this copy changes nothing except your own understanding.
"""

import jax, jax.numpy as jnp
import numpy as np

EMBED_DIM = 768
GRID_H = 32
GRID_W = 32

def setup_inputs(seed: int = 0) -> dict:
    key = jax.random.key(seed)
    k1, k2 = jax.random.split(key)
    row_emb = jax.random.normal(k1, (GRID_H, EMBED_DIM // 2), dtype=jnp.float32)
    col_emb = jax.random.normal(k2, (GRID_W, EMBED_DIM // 2), dtype=jnp.float32)
    return {"row_emb": row_emb, "col_emb": col_emb, "h": 32, "w": 32}

def reference(row_emb, col_emb, h, w):
    hs = row_emb.shape[0]
    ws = col_emb.shape[0]
    rows = jnp.arange(hs) + (h - h)
    cols = jnp.arange(ws) + (w - w)
    # embedding lookup == gather rows from table
    row_e = jnp.take(row_emb, rows, axis=0)          # [h, d/2]
    col_e = jnp.take(col_emb, cols, axis=0)          # [w, d/2]
    row_e = jnp.broadcast_to(row_e[:, None, :], (hs, ws, row_emb.shape[1]))
    col_e = jnp.broadcast_to(col_e[None, :, :], (hs, ws, col_emb.shape[1]))
    out = jnp.concatenate([row_e, col_e], axis=-1)   # [h, w, d]
    return out.reshape(hs * ws, -1)

if __name__ == "__main__":
    import jax
    _d = setup_inputs()
    print(jax.jit(kernel)(*tuple(_d.values())))

</pallas_src>

<mosaic_0001>
#map = affine_map<(d0, d1) -> (0, 0)>
module attributes {stable_mosaic.version = 14 : i64} {
  func.func @_emb_body(%arg0: i32, %arg1: i32, %arg2: memref<32x384xf32, #tpu.memory_space<hbm>>, %arg3: memref<32x384xf32, #tpu.memory_space<hbm>>, %arg4: memref<1024x768xf32, #tpu.memory_space<hbm>>, %arg5: memref<384xf32, #tpu.memory_space<vmem>>, %arg6: memref<32x768xf32, #tpu.memory_space<vmem>>, %arg7: memref<!tpu.dma_semaphore, #tpu.memory_space<semaphore_mem>>, %arg8: memref<!tpu.dma_semaphore, #tpu.memory_space<semaphore_mem>>) attributes {dimension_semantics = [#tpu.dimension_semantics<core_parallel>, #tpu.dimension_semantics<subcore_parallel>], iteration_bounds = array<i64: 2, 16>, scalar_prefetch = 0 : i64, scratch_operands = 4 : i64, tpu.core_type = #tpu.core_type<sc_vector_subcore>, window_params = [{transform_indices = #map}, {transform_indices = #map}, {transform_indices = #map}]} {
    %mul3A = arith.constant 2 : i32
    %mul3A_0 = arith.muli %arg1, %mul3A : i32
    %add3A = arith.addi %mul3A_0, %arg0 : i32
    %dma_start3A = arith.constant 0 : i32
    %dma_start3A_1 = tpu.memref_slice %arg2[%add3A, %dma_start3A] : memref<32x384xf32, #tpu.memory_space<hbm>> -> memref<1x384xf32, #tpu.memory_space<hbm>>
    %dma_start3A_2 = tpu.memref_squeeze %dma_start3A_1 : memref<1x384xf32, #tpu.memory_space<hbm>> -> memref<384xf32, #tpu.memory_space<hbm>>
    %dma_start3A_3 = arith.constant 0 : i32
    %dma_start3A_4 = tpu.memref_slice %arg2[%add3A, %dma_start3A_3] : memref<32x384xf32, #tpu.memory_space<hbm>> -> memref<1x384xf32, #tpu.memory_space<hbm>>
    %dma_start3A_5 = tpu.memref_squeeze %dma_start3A_4 : memref<1x384xf32, #tpu.memory_space<hbm>> -> memref<384xf32, #tpu.memory_space<hbm>>
    tpu.enqueue_dma source(%dma_start3A_5 : memref<384xf32, #tpu.memory_space<hbm>>) target(%arg5 : memref<384xf32, #tpu.memory_space<vmem>>) target_semaphore(%arg8 : memref<!tpu.dma_semaphore, #tpu.memory_space<semaphore_mem>>)
    %dma_start3A_6 = arith.constant 0 : i32
    %dma_start3A_7 = arith.constant 384 : i32
    %dma_start3A_8 = tpu.memref_slice %arg6[%dma_start3A_6, %dma_start3A_7] : memref<32x768xf32, #tpu.memory_space<vmem>> -> memref<32x384xf32, #tpu.memory_space<vmem>>
    %dma_start3A_9 = arith.constant 0 : i32
    %dma_start3A_10 = arith.constant 384 : i32
    %dma_start3A_11 = tpu.memref_slice %arg6[%dma_start3A_9, %dma_start3A_10] : memref<32x768xf32, #tpu.memory_space<vmem>> -> memref<32x384xf32, #tpu.memory_space<vmem>>
    tpu.enqueue_dma source(%arg3 : memref<32x384xf32, #tpu.memory_space<hbm>>) target(%dma_start3A_11 : memref<32x384xf32, #tpu.memory_space<vmem>>) target_semaphore(%arg7 : memref<!tpu.dma_semaphore, #tpu.memory_space<semaphore_mem>>)
    %dma_wait3A = arith.constant 0 : i32
    %dma_wait3A_12 = tpu.memref_slice %arg2[%add3A, %dma_wait3A] : memref<32x384xf32, #tpu.memory_space<hbm>> -> memref<1x384xf32, #tpu.memory_space<hbm>>
    %dma_wait3A_13 = tpu.memref_squeeze %dma_wait3A_12 : memref<1x384xf32, #tpu.memory_space<hbm>> -> memref<384xf32, #tpu.memory_space<hbm>>
    %dma_wait3A_14 = arith.constant 0 : i32
    %dma_wait3A_15 = tpu.memref_slice %arg2[%add3A, %dma_wait3A_14] : memref<32x384xf32, #tpu.memory_space<hbm>> -> memref<1x384xf32, #tpu.memory_space<hbm>>
    %dma_wait3A_16 = tpu.memref_squeeze %dma_wait3A_15 : memref<1x384xf32, #tpu.memory_space<hbm>> -> memref<384xf32, #tpu.memory_space<hbm>>
    tpu.wait_dma2 semaphore(%arg8 : memref<!tpu.dma_semaphore, #tpu.memory_space<semaphore_mem>>) src(%dma_wait3A_16 : memref<384xf32, #tpu.memory_space<hbm>>) dst(%arg5 : memref<384xf32, #tpu.memory_space<vmem>>)
    %get3A = arith.constant 0 : index
    %get3A_17 = tpu.vector_load %arg5[%get3A] {strides = array<i32>} : memref<384xf32, #tpu.memory_space<vmem>>, vector<16xf32>,
    %get3A_18 = vector.shape_cast %get3A_17 : vector<16xf32> to vector<16xf32>
    %get3A_19 = arith.constant 16 : index
    %get3A_20 = tpu.vector_load %arg5[%get3A_19] {strides = array<i32>} : memref<384xf32, #tpu.memory_space<vmem>>, vector<16xf32>,
    %get3A_21 = vector.shape_cast %get3A_20 : vector<16xf32> to vector<16xf32>
    %get3A_22 = arith.constant 32 : index
    %get3A_23 = tpu.vector_load %arg5[%get3A_22] {strides = array<i32>} : memref<384xf32, #tpu.memory_space<vmem>>, vector<16xf32>,
    %get3A_24 = vector.shape_cast %get3A_23 : vector<16xf32> to vector<16xf32>
    %get3A_25 = arith.constant 48 : index
    %get3A_26 = tpu.vector_load %arg5[%get3A_25] {strides = array<i32>} : memref<384xf32, #tpu.memory_space<vmem>>, vector<16xf32>,
    %get3A_27 = vector.shape_cast %get3A_26 : vector<16xf32> to vector<16xf32>
    %get3A_28 = arith.constant 64 : index
    %get3A_29 = tpu.vector_load %arg5[%get3A_28] {strides = array<i32>} : memref<384xf32, #tpu.memory_space<vmem>>, vector<16xf32>,
    %get3A_30 = vector.shape_cast %get3A_29 : vector<16xf32> to vector<16xf32>
    %get3A_31 = arith.constant 80 : index
    %get3A_32 = tpu.vector_load %arg5[%get3A_31] {strides = array<i32>} : memref<384xf32, #tpu.memory_space<vmem>>, vector<16xf32>,
    %get3A_33 = vector.shape_cast %get3A_32 : vector<16xf32> to vector<16xf32>
    %get3A_34 = arith.constant 96 : index
    %get3A_35 = tpu.vector_load %arg5[%get3A_34] {strides = array<i32>} : memref<384xf32, #tpu.memory_space<vmem>>, vector<16xf32>,
    %get3A_36 = vector.shape_cast %get3A_35 : vector<16xf32> to vector<16xf32>
    %get3A_37 = arith.constant 112 : index
    %get3A_38 = tpu.vector_load %arg5[%get3A_37] {strides = array<i32>} : memref<384xf32, #tpu.memory_space<vmem>>, vector<16xf32>,
    %get3A_39 = vector.shape_cast %get3A_38 : vector<16xf32> to vector<16xf32>
    %get3A_40 = arith.constant 128 : index
    %get3A_41 = tpu.vector_load %arg5[%get3A_40] {strides = array<i32>} : memref<384xf32, #tpu.memory_space<vmem>>, vector<16xf32>,
    %get3A_42 = vector.shape_cast %get3A_41 : vector<16xf32> to vector<16xf32>
    %get3A_43 = arith.constant 144 : index
    %get3A_44 = tpu.vector_load %arg5[%get3A_43] {strides = array<i32>} : memref<384xf32, #tpu.memory_space<vmem>>, vector<16xf32>,
    %get3A_45 = vector.shape_cast %get3A_44 : vector<16xf32> to vector<16xf32>
    %get3A_46 = arith.constant 160 : index
    %get3A_47 = tpu.vector_load %arg5[%get3A_46] {strides = array<i32>} : memref<384xf32, #tpu.memory_space<vmem>>, vector<16xf32>,
    %get3A_48 = vector.shape_cast %get3A_47 : vector<16xf32> to vector<16xf32>
    %get3A_49 = arith.constant 176 : index
    %get3A_50 = tpu.vector_load %arg5[%get3A_49] {strides = array<i32>} : memref<384xf32, #tpu.memory_space<vmem>>, vector<16xf32>,
    %get3A_51 = vector.shape_cast %get3A_50 : vector<16xf32> to vector<16xf32>
    %get3A_52 = arith.constant 192 : index
    %get3A_53 = tpu.vector_load %arg5[%get3A_52] {strides = array<i32>} : memref<384xf32, #tpu.memory_space<vmem>>, vector<16xf32>,
    %get3A_54 = vector.shape_cast %get3A_53 : vector<16xf32> to vector<16xf32>
    %get3A_55 = arith.constant 208 : index
    %get3A_56 = tpu.vector_load %arg5[%get3A_55] {strides = array<i32>} : memref<384xf32, #tpu.memory_space<vmem>>, vector<16xf32>,
    %get3A_57 = vector.shape_cast %get3A_56 : vector<16xf32> to vector<16xf32>
    %get3A_58 = arith.constant 224 : index
    %get3A_59 = tpu.vector_load %arg5[%get3A_58] {strides = array<i32>} : memref<384xf32, #tpu.memory_space<vmem>>, vector<16xf32>,
    %get3A_60 = vector.shape_cast %get3A_59 : vector<16xf32> to vector<16xf32>
    %get3A_61 = arith.constant 240 : index
    %get3A_62 = tpu.vector_load %arg5[%get3A_61] {strides = array<i32>} : memref<384xf32, #tpu.memory_space<vmem>>, vector<16xf32>,
    %get3A_63 = vector.shape_cast %get3A_62 : vector<16xf32> to vector<16xf32>
    %get3A_64 = arith.constant 256 : index
    %get3A_65 = tpu.vector_load %arg5[%get3A_64] {strides = array<i32>} : memref<384xf32, #tpu.memory_space<vmem>>, vector<16xf32>,
    %get3A_66 = vector.shape_cast %get3A_65 : vector<16xf32> to vector<16xf32>
    %get3A_67 = arith.constant 272 : index
    %get3A_68 = tpu.vector_load %arg5[%get3A_67] {strides = array<i32>} : memref<384xf32, #tpu.memory_space<vmem>>, vector<16xf32>,
    %get3A_69 = vector.shape_cast %get3A_68 : vector<16xf32> to vector<16xf32>
    %get3A_70 = arith.constant 288 : index
    %get3A_71 = tpu.vector_load %arg5[%get3A_70] {strides = array<i32>} : memref<384xf32, #tpu.memory_space<vmem>>, vector<16xf32>,
    %get3A_72 = vector.shape_cast %get3A_71 : vector<16xf32> to vector<16xf32>
    %get3A_73 = arith.constant 304 : index
    %get3A_74 = tpu.vector_load %arg5[%get3A_73] {strides = array<i32>} : memref<384xf32, #tpu.memory_space<vmem>>, vector<16xf32>,
    %get3A_75 = vector.shape_cast %get3A_74 : vector<16xf32> to vector<16xf32>
    %get3A_76 = arith.constant 320 : index
    %get3A_77 = tpu.vector_load %arg5[%get3A_76] {strides = array<i32>} : memref<384xf32, #tpu.memory_space<vmem>>, vector<16xf32>,
    %get3A_78 = vector.shape_cast %get3A_77 : vector<16xf32> to vector<16xf32>
    %get3A_79 = arith.constant 336 : index
    %get3A_80 = tpu.vector_load %arg5[%get3A_79] {strides = array<i32>} : memref<384xf32, #tpu.memory_space<vmem>>, vector<16xf32>,
    %get3A_81 = vector.shape_cast %get3A_80 : vector<16xf32> to vector<16xf32>
    %get3A_82 = arith.constant 352 : index
    %get3A_83 = tpu.vector_load %arg5[%get3A_82] {strides = array<i32>} : memref<384xf32, #tpu.memory_space<vmem>>, vector<16xf32>,
    %get3A_84 = vector.shape_cast %get3A_83 : vector<16xf32> to vector<16xf32>
    %get3A_85 = arith.constant 368 : index
    %get3A_86 = tpu.vector_load %arg5[%get3A_85] {strides = array<i32>} : memref<384xf32, #tpu.memory_space<vmem>>, vector<16xf32>,
    %get3A_87 = vector.shape_cast %get3A_86 : vector<16xf32> to vector<16xf32>
    %scan3A = arith.constant 0 : i32
    %scan3A_88 = arith.constant 0 : i32
    %scan3A_89 = arith.constant 16 : i32
    %scan3A_90 = arith.addi %scan3A_88, %scan3A_89 : i32
    %scan3A_91 = arith.constant 1 : i32
    scf.for %scan3A_101 = %scan3A_88 to %scan3A_90 step %scan3A_91  : i32 {
      %swap3A = arith.index_cast %scan3A_101 : i32 to index
      %swap3A_102 = arith.constant 0 : index
      %swap3A_103 = tpu.vector_load %arg6[%swap3A, %swap3A_102] {strides = array<i32>} : memref<32x768xf32, #tpu.memory_space<vmem>>, vector<1x16xf32>,
      %swap3A_104 = vector.shape_cast %swap3A_103 : vector<1x16xf32> to vector<16xf32>
      %swap3A_105 = vector.shape_cast %get3A_18 : vector<16xf32> to vector<1x16xf32>
      tpu.vector_store %arg6[%swap3A, %swap3A_102], %swap3A_105 {strides = array<i32>} : memref<32x768xf32, #tpu.memory_space<vmem>>, vector<1x16xf32>,
      %add3A_106 = arith.constant 16 : i32
      %add3A_107 = arith.addi %scan3A_101, %add3A_106 : i32
      %swap3A_108 = arith.index_cast %add3A_107 : i32 to index
      %swap3A_109 = arith.constant 0 : index
      %swap3A_110 = tpu.vector_load %arg6[%swap3A_108, %swap3A_109] {strides = array<i32>} : memref<32x768xf32, #tpu.memory_space<vmem>>, vector<1x16xf32>,
      %swap3A_111 = vector.shape_cast %swap3A_110 : vector<1x16xf32> to vector<16xf32>
      %swap3A_112 = vector.shape_cast %get3A_18 : vector<16xf32> to vector<1x16xf32>
      tpu.vector_store %arg6[%swap3A_108, %swap3A_109], %swap3A_112 {strides = array<i32>} : memref<32x768xf32, #tpu.memory_space<vmem>>, vector<1x16xf32>,
      %swap3A_113 = arith.index_cast %scan3A_101 : i32 to index
      %swap3A_114 = arith.constant 16 : index
      %swap3A_115 = tpu.vector_load %arg6[%swap3A_113, %swap3A_114] {strides = array<i32>} : memref<32x768xf32, #tpu.memory_space<vmem>>, vector<1x16xf32>,
      %swap3A_116 = vector.shape_cast %swap3A_115 : vector<1x16xf32> to vector<16xf32>
      %swap3A_117 = vector.shape_cast %get3A_21 : vector<16xf32> to vector<1x16xf32>
      tpu.vector_store %arg6[%swap3A_113, %swap3A_114], %swap3A_117 {strides = array<i32>} : memref<32x768xf32, #tpu.memory_space<vmem>>, vector<1x16xf32>,
      %add3A_118 = arith.constant 16 : i32
      %add3A_119 = arith.addi %scan3A_101, %add3A_118 : i32
      %swap3A_120 = arith.index_cast %add3A_119 : i32 to index
      %swap3A_121 = arith.constant 16 : index
      %swap3A_122 = tpu.vector_load %arg6[%swap3A_120, %swap3A_121] {strides = array<i32>} : memref<32x768xf32, #tpu.memory_space<vmem>>, vector<1x16xf32>,
      %swap3A_123 = vector.shape_cast %swap3A_122 : vector<1x16xf32> to vector<16xf32>
      %swap3A_124 = vector.shape_cast %get3A_21 : vector<16xf32> to vector<1x16xf32>
      tpu.vector_store %arg6[%swap3A_120, %swap3A_121], %swap3A_124 {strides = array<i32>} : memref<32x768xf32, #tpu.memory_space<vmem>>, vector<1x16xf32>,
      %swap3A_125 = arith.index_cast %scan3A_101 : i32 to index
      %swap3A_126 = arith.constant 32 : index
      %swap3A_127 = tpu.vector_load %arg6[%swap3A_125, %swap3A_126] {strides = array<i32>} : memref<32x768xf32, #tpu.memory_space<vmem>>, vector<1x16xf32>,
      %swap3A_128 = vector.shape_cast %swap3A_127 : vector<1x16xf32> to vector<16xf32>
      %swap3A_129 = vector.shape_cast %get3A_24 : vector<16xf32> to vector<1x16xf32>
      tpu.vector_store %arg6[%swap3A_125, %swap3A_126], %swap3A_129 {strides = array<i32>} : memref<32x768xf32, #tpu.memory_space<vmem>>, vector<1x16xf32>,
      %add3A_130 = arith.constant 16 : i32
      %add3A_131 = arith.addi %scan3A_101, %add3A_130 : i32
      %swap3A_132 = arith.index_cast %add3A_131 : i32 to index
      %swap3A_133 = arith.constant 32 : index
      %swap3A_134 = tpu.vector_load %arg6[%swap3A_132, %swap3A_133] {strides = array<i32>} : memref<32x768xf32, #tpu.memory_space<vmem>>, vector<1x16xf32>,
      %swap3A_135 = vector.shape_cast %swap3A_134 : vector<1x16xf32> to vector<16xf32>
      %swap3A_136 = vector.shape_cast %get3A_24 : vector<16xf32> to vector<1x16xf32>
      tpu.vector_store %arg6[%swap3A_132, %swap3A_133], %swap3A_136 {strides = array<i32>} : memref<32x768xf32, #tpu.memory_space<vmem>>, vector<1x16xf32>,
      %swap3A_137 = arith.index_cast %scan3A_101 : i32 to index
      %swap3A_138 = arith.constant 48 : index
      %swap3A_139 = tpu.vector_load %arg6[%swap3A_137, %swap3A_138] {strides = array<i32>} : memref<32x768xf32, #tpu.memory_space<vmem>>, vector<1x16xf32>,
      %swap3A_140 = vector.shape_cast %swap3A_139 : vector<1x16xf32> to vector<16xf32>
      %swap3A_141 = vector.shape_cast %get3A_27 : vector<16xf32> to vector<1x16xf32>
      tpu.vector_store %arg6[%swap3A_137, %swap3A_138], %swap3A_141 {strides = array<i32>} : memref<32x768xf32, #tpu.memory_space<vmem>>, vector<1x16xf32>,
      %add3A_142 = arith.constant 16 : i32
      %add3A_143 = arith.addi %scan3A_101, %add3A_142 : i32
      %swap3A_144 = arith.index_cast %add3A_143 : i32 to index
      %swap3A_145 = arith.constant 48 : index
      %swap3A_146 = tpu.vector_load %arg6[%swap3A_144, %swap3A_145] {strides = array<i32>} : memref<32x768xf32, #tpu.memory_space<vmem>>, vector<1x16xf32>,
      %swap3A_147 = vector.shape_cast %swap3A_146 : vector<1x16xf32> to vector<16xf32>
      %swap3A_148 = vector.shape_cast %get3A_27 : vector<16xf32> to vector<1x16xf32>
      tpu.vector_store %arg6[%swap3A_144, %swap3A_145], %swap3A_148 {strides = array<i32>} : memref<32x768xf32, #tpu.memory_space<vmem>>, vector<1x16xf32>,
      %swap3A_149 = arith.index_cast %scan3A_101 : i32 to index
      %swap3A_150 = arith.constant 64 : index
      %swap3A_151 = tpu.vector_load %arg6[%swap3A_149, %swap3A_150] {strides = array<i32>} : memref<32x768xf32, #tpu.memory_space<vmem>>, vector<1x16xf32>,
      %swap3A_152 = vector.shape_cast %swap3A_151 : vector<1x16xf32> to vector<16xf32>
      %swap3A_153 = vector.shape_cast %get3A_30 : vector<16xf32> to vector<1x16xf32>
      tpu.vector_store %arg6[%swap3A_149, %swap3A_150], %swap3A_153 {strides = array<i32>} : memref<32x768xf32, #tpu.memory_space<vmem>>, vector<1x16xf32>,
      %add3A_154 = arith.constant 16 : i32
      %add3A_155 = arith.addi %scan3A_101, %add3A_154 : i32
      %swap3A_156 = arith.index_cast %add3A_155 : i32 to index
      %swap3A_157 = arith.constant 64 : index
      %swap3A_158 = tpu.vector_load %arg6[%swap3A_156, %swap3A_157] {strides = array<i32>} : memref<32x768xf32, #tpu.memory_space<vmem>>, vector<1x16xf32>,
      %swap3A_159 = vector.shape_cast %swap3A_158 : vector<1x16xf32> to vector<16xf32>
      %swap3A_160 = vector.shape_cast %get3A_30 : vector<16xf32> to vector<1x16xf32>
      tpu.vector_store %arg6[%swap3A_156, %swap3A_157], %swap3A_160 {strides = array<i32>} : memref<32x768xf32, #tpu.memory_space<vmem>>, vector<1x16xf32>,
      %swap3A_161 = arith.index_cast %scan3A_101 : i32 to index
      %swap3A_162 = arith.constant 80 : index
      %swap3A_163 = tpu.vector_load %arg6[%swap3A_161, %swap3A_162] {strides = array<i32>} : memref<32x768xf32, #tpu.memory_space<vmem>>, vector<1x16xf32>,
      %swap3A_164 = vector.shape_cast %swap3A_163 : vector<1x16xf32> to vector<16xf32>
      %swap3A_165 = vector.shape_cast %get3A_33 : vector<16xf32> to vector<1x16xf32>
      tpu.vector_store %arg6[%swap3A_161, %swap3A_162], %swap3A_165 {strides = array<i32>} : memref<32x768xf32, #tpu.memory_space<vmem>>, vector<1x16xf32>,
      %add3A_166 = arith.constant 16 : i32
      %add3A_167 = arith.addi %scan3A_101, %add3A_166 : i32
      %swap3A_168 = arith.index_cast %add3A_167 : i32 to index
      %swap3A_169 = arith.constant 80 : index
      %swap3A_170 = tpu.vector_load %arg6[%swap3A_168, %swap3A_169] {strides = array<i32>} : memref<32x768xf32, #tpu.memory_space<vmem>>, vector<1x16xf32>,
      %swap3A_171 = vector.shape_cast %swap3A_170 : vector<1x16xf32> to vector<16xf32>
      %swap3A_172 = vector.shape_cast %get3A_33 : vector<16xf32> to vector<1x16xf32>
      tpu.vector_store %arg6[%swap3A_168, %swap3A_169], %swap3A_172 {strides = array<i32>} : memref<32x768xf32, #tpu.memory_space<vmem>>, vector<1x16xf32>,
      %swap3A_173 = arith.index_cast %scan3A_101 : i32 to index
      %swap3A_174 = arith.constant 96 : index
      %swap3A_175 = tpu.vector_load %arg6[%swap3A_173, %swap3A_174] {strides = array<i32>} : memref<32x768xf32, #tpu.memory_space<vmem>>, vector<1x16xf32>,
      %swap3A_176 = vector.shape_cast %swap3A_175 : vector<1x16xf32> to vector<16xf32>
      %swap3A_177 = vector.shape_cast %get3A_36 : vector<16xf32> to vector<1x16xf32>
      tpu.vector_store %arg6[%swap3A_173, %swap3A_174], %swap3A_177 {strides = array<i32>} : memref<32x768xf32, #tpu.memory_space<vmem>>, vector<1x16xf32>,
      %add3A_178 = arith.constant 16 : i32
      %add3A_179 = arith.addi %scan3A_101, %add3A_178 : i32
      %swap3A_180 = arith.index_cast %add3A_179 : i32 to index
      %swap3A_181 = arith.constant 96 : index
      %swap3A_182 = tpu.vector_load %arg6[%swap3A_180, %swap3A_181] {strides = array<i32>} : memref<32x768xf32, #tpu.memory_space<vmem>>, vector<1x16xf32>,
      %swap3A_183 = vector.shape_cast %swap3A_182 : vector<1x16xf32> to vector<16xf32>
      %swap3A_184 = vector.shape_cast %get3A_36 : vector<16xf32> to vector<1x16xf32>
      tpu.vector_store %arg6[%swap3A_180, %swap3A_181], %swap3A_184 {strides = array<i32>} : memref<32x768xf32, #tpu.memory_space<vmem>>, vector<1x16xf32>,
      %swap3A_185 = arith.index_cast %scan3A_101 : i32 to index
      %swap3A_186 = arith.constant 112 : index
      %swap3A_187 = tpu.vector_load %arg6[%swap3A_185, %swap3A_186] {strides = array<i32>} : memref<32x768xf32, #tpu.memory_space<vmem>>, vector<1x16xf32>,
      %swap3A_188 = vector.shape_cast %swap3A_187 : vector<1x16xf32> to vector<16xf32>
      %swap3A_189 = vector.shape_cast %get3A_39 : vector<16xf32> to vector<1x16xf32>
      tpu.vector_store %arg6[%swap3A_185, %swap3A_186], %swap3A_189 {strides = array<i32>} : memref<32x768xf32, #tpu.memory_space<vmem>>, vector<1x16xf32>,
      %add3A_190 = arith.constant 16 : i32
      %add3A_191 = arith.addi %scan3A_101, %add3A_190 : i32
      %swap3A_192 = arith.index_cast %add3A_191 : i32 to index
      %swap3A_193 = arith.constant 112 : index
      %swap3A_194 = tpu.vector_load %arg6[%swap3A_192, %swap3A_193] {strides = array<i32>} : memref<32x768xf32, #tpu.memory_space<vmem>>, vector<1x16xf32>,
      %swap3A_195 = vector.shape_cast %swap3A_194 : vector<1x16xf32> to vector<16xf32>
      %swap3A_196 = vector.shape_cast %get3A_39 : vector<16xf32> to vector<1x16xf32>
      tpu.vector_store %arg6[%swap3A_192, %swap3A_193], %swap3A_196 {strides = array<i32>} : memref<32x768xf32, #tpu.memory_space<vmem>>, vector<1x16xf32>,
      %swap3A_197 = arith.index_cast %scan3A_101 : i32 to index
      %swap3A_198 = arith.constant 128 : index
      %swap3A_199 = tpu.vector_load %arg6[%swap3A_197, %swap3A_198] {strides = array<i32>} : memref<32x768xf32, #tpu.memory_space<vmem>>, vector<1x16xf32>,
      %swap3A_200 = vector.shape_cast %swap3A_199 : vector<1x16xf32> to vector<16xf32>
      %swap3A_201 = vector.shape_cast %get3A_42 : vector<16xf32> to vector<1x16xf32>
      tpu.vector_store %arg6[%swap3A_197, %swap3A_198], %swap3A_201 {strides = array<i32>} : memref<32x768xf32, #tpu.memory_space<vmem>>, vector<1x16xf32>,
      %add3A_202 = arith.constant 16 : i32
      %add3A_203 = arith.addi %scan3A_101, %add3A_202 : i32
      %swap3A_204 = arith.index_cast %add3A_203 : i32 to index
      %swap3A_205 = arith.constant 128 : index
      %swap3A_206 = tpu.vector_load %arg6[%swap3A_204, %swap3A_205] {strides = array<i32>} : memref<32x768xf32, #tpu.memory_space<vmem>>, vector<1x16xf32>,
      %swap3A_207 = vector.shape_cast %swap3A_206 : vector<1x16xf32> to vector<16xf32>
      %swap3A_208 = vector.shape_cast %get3A_42 : vector<16xf32> to vector<1x16xf32>
      tpu.vector_store %arg6[%swap3A_204, %swap3A_205], %swap3A_208 {strides = array<i32>} : memref<32x768xf32, #tpu.memory_space<vmem>>, vector<1x16xf32>,
      %swap3A_209 = arith.index_cast %scan3A_101 : i32 to index
      %swap3A_210 = arith.constant 144 : index
      %swap3A_211 = tpu.vector_load %arg6[%swap3A_209, %swap3A_210] {strides = array<i32>} : memref<32x768xf32, #tpu.memory_space<vmem>>, vector<1x16xf32>,
      %swap3A_212 = vector.shape_cast %swap3A_211 : vector<1x16xf32> to vector<16xf32>
      %swap3A_213 = vector.shape_cast %get3A_45 : vector<16xf32> to vector<1x16xf32>
      tpu.vector_store %arg6[%swap3A_209, %swap3A_210], %swap3A_213 {strides = array<i32>} : memref<32x768xf32, #tpu.memory_space<vmem>>, vector<1x16xf32>,
      %add3A_214 = arith.constant 16 : i32
      %add3A_215 = arith.addi %scan3A_101, %add3A_214 : i32
      %swap3A_216 = arith.index_cast %add3A_215 : i32 to index
      %swap3A_217 = arith.constant 144 : index
      %swap3A_218 = tpu.vector_load %arg6[%swap3A_216, %swap3A_217] {strides = array<i32>} : memref<32x768xf32, #tpu.memory_space<vmem>>, vector<1x16xf32>,
      %swap3A_219 = vector.shape_cast %swap3A_218 : vector<1x16xf32> to vector<16xf32>
      %swap3A_220 = vector.shape_cast %get3A_45 : vector<16xf32> to vector<1x16xf32>
      tpu.vector_store %arg6[%swap3A_216, %swap3A_217], %swap3A_220 {strides = array<i32>} : memref<32x768xf32, #tpu.memory_space<vmem>>, vector<1x16xf32>,
      %swap3A_221 = arith.index_cast %scan3A_101 : i32 to index
      %swap3A_222 = arith.constant 160 : index
      %swap3A_223 = tpu.vector_load %arg6[%swap3A_221, %swap3A_222] {strides = array<i32>} : memref<32x768xf32, #tpu.memory_space<vmem>>, vector<1x16xf32>,
      %swap3A_224 = vector.shape_cast %swap3A_223 : vector<1x16xf32> to vector<16xf32>
      %swap3A_225 = vector.shape_cast %get3A_48 : vector<16xf32> to vector<1x16xf32>
      tpu.vector_store %arg6[%swap3A_221, %swap3A_222], %swap3A_225 {strides = array<i32>} : memref<32x768xf32, #tpu.memory_space<vmem>>, vector<1x16xf32>,
      %add3A_226 = arith.constant 16 : i32
      %add3A_227 = arith.addi %scan3A_101, %add3A_226 : i32
      %swap3A_228 = arith.index_cast %add3A_227 : i32 to index
      %swap3A_229 = arith.constant 160 : index
      %swap3A_230 = tpu.vector_load %arg6[%swap3A_228, %swap3A_229] {strides = array<i32>} : memref<32x768xf32, #tpu.memory_space<vmem>>, vector<1x16xf32>,
      %swap3A_231 = vector.shape_cast %swap3A_230 : vector<1x16xf32> to vector<16xf32>
      %swap3A_232 = vector.shape_cast %get3A_48 : vector<16xf32> to vector<1x16xf32>
      tpu.vector_store %arg6[%swap3A_228, %swap3A_229], %swap3A_232 {strides = array<i32>} : memref<32x768xf32, #tpu.memory_space<vmem>>, vector<1x16xf32>,
      %swap3A_233 = arith.index_cast %scan3A_101 : i32 to index
      %swap3A_234 = arith.constant 176 : index
      %swap3A_235 = tpu.vector_load %arg6[%swap3A_233, %swap3A_234] {strides = array<i32>} : memref<32x768xf32, #tpu.memory_space<vmem>>, vector<1x16xf32>,
      %swap3A_236 = vector.shape_cast %swap3A_235 : vector<1x16xf32> to vector<16xf32>
      %swap3A_237 = vector.shape_cast %get3A_51 : vector<16xf32> to vector<1x16xf32>
      tpu.vector_store %arg6[%swap3A_233, %swap3A_234], %swap3A_237 {strides = array<i32>} : memref<32x768xf32, #tpu.memory_space<vmem>>, vector<1x16xf32>,
      %add3A_238 = arith.constant 16 : i32
      %add3A_239 = arith.addi %scan3A_101, %add3A_238 : i32
      %swap3A_240 = arith.index_cast %add3A_239 : i32 to index
      %swap3A_241 = arith.constant 176 : index
      %swap3A_242 = tpu.vector_load %arg6[%swap3A_240, %swap3A_241] {strides = array<i32>} : memref<32x768xf32, #tpu.memory_space<vmem>>, vector<1x16xf32>,
      %swap3A_243 = vector.shape_cast %swap3A_242 : vector<1x16xf32> to vector<16xf32>
      %swap3A_244 = vector.shape_cast %get3A_51 : vector<16xf32> to vector<1x16xf32>
      tpu.vector_store %arg6[%swap3A_240, %swap3A_241], %swap3A_244 {strides = array<i32>} : memref<32x768xf32, #tpu.memory_space<vmem>>, vector<1x16xf32>,
      %swap3A_245 = arith.index_cast %scan3A_101 : i32 to index
      %swap3A_246 = arith.constant 192 : index
      %swap3A_247 = tpu.vector_load %arg6[%swap3A_245, %swap3A_246] {strides = array<i32>} : memref<32x768xf32, #tpu.memory_space<vmem>>, vector<1x16xf32>,
      %swap3A_248 = vector.shape_cast %swap3A_247 : vector<1x16xf32> to vector<16xf32>
      %swap3A_249 = vector.shape_cast %get3A_54 : vector<16xf32> to vector<1x16xf32>
      tpu.vector_store %arg6[%swap3A_245, %swap3A_246], %swap3A_249 {strides = array<i32>} : memref<32x768xf32, #tpu.memory_space<vmem>>, vector<1x16xf32>,
      %add3A_250 = arith.constant 16 : i32
      %add3A_251 = arith.addi %scan3A_101, %add3A_250 : i32
      %swap3A_252 = arith.index_cast %add3A_251 : i32 to index
      %swap3A_253 = arith.constant 192 : index
      %swap3A_254 = tpu.vector_load %arg6[%swap3A_252, %swap3A_253] {strides = array<i32>} : memref<32x768xf32, #tpu.memory_space<vmem>>, vector<1x16xf32>,
      %swap3A_255 = vector.shape_cast %swap3A_254 : vector<1x16xf32> to vector<16xf32>
      %swap3A_256 = vector.shape_cast %get3A_54 : vector<16xf32> to vector<1x16xf32>
      tpu.vector_store %arg6[%swap3A_252, %swap3A_253], %swap3A_256 {strides = array<i32>} : memref<32x768xf32, #tpu.memory_space<vmem>>, vector<1x16xf32>,
      %swap3A_257 = arith.index_cast %scan3A_101 : i32 to index
      %swap3A_258 = arith.constant 208 : index
      %swap3A_259 = tpu.vector_load %arg6[%swap3A_257, %swap3A_258] {strides = array<i32>} : memref<32x768xf32, #tpu.memory_space<vmem>>, vector<1x16xf32>,
      %swap3A_260 = vector.shape_cast %swap3A_259 : vector<1x16xf32> to vector<16xf32>
      %swap3A_261 = vector.shape_cast %get3A_57 : vector<16xf32> to vector<1x16xf32>
      tpu.vector_store %arg6[%swap3A_257, %swap3A_258], %swap3A_261 {strides = array<i32>} : memref<32x768xf32, #tpu.memory_space<vmem>>, vector<1x16xf32>,
      %add3A_262 = arith.constant 16 : i32
      %add3A_263 = arith.addi %scan3A_101, %add3A_262 : i32
      %swap3A_264 = arith.index_cast %add3A_263 : i32 to index
      %swap3A_265 = arith.constant 208 : index
      %swap3A_266 = tpu.vector_load %arg6[%swap3A_264, %swap3A_265] {strides = array<i32>} : memref<32x768xf32, #tpu.memory_space<vmem>>, vector<1x16xf32>,
      %swap3A_267 = vector.shape_cast %swap3A_266 : vector<1x16xf32> to vector<16xf32>
      %swap3A_268 = vector.shape_cast %get3A_57 : vector<16xf32> to vector<1x16xf32>
      tpu.vector_store %arg6[%swap3A_264, %swap3A_265], %swap3A_268 {strides = array<i32>} : memref<32x768xf32, #tpu.memory_space<vmem>>, vector<1x16xf32>,
      %swap3A_269 = arith.index_cast %scan3A_101 : i32 to index
      %swap3A_270 = arith.constant 224 : index
      %swap3A_271 = tpu.vector_load %arg6[%swap3A_269, %swap3A_270] {strides = array<i32>} : memref<32x768xf32, #tpu.memory_space<vmem>>, vector<1x16xf32>,
      %swap3A_272 = vector.shape_cast %swap3A_271 : vector<1x16xf32> to vector<16xf32>
      %swap3A_273 = vector.shape_cast %get3A_60 : vector<16xf32> to vector<1x16xf32>
      tpu.vector_store %arg6[%swap3A_269, %swap3A_270], %swap3A_273 {strides = array<i32>} : memref<32x768xf32, #tpu.memory_space<vmem>>, vector<1x16xf32>,
      %add3A_274 = arith.constant 16 : i32
      %add3A_275 = arith.addi %scan3A_101, %add3A_274 : i32
      %swap3A_276 = arith.index_cast %add3A_275 : i32 to index
      %swap3A_277 = arith.constant 224 : index
      %swap3A_278 = tpu.vector_load %arg6[%swap3A_276, %swap3A_277] {strides = array<i32>} : memref<32x768xf32, #tpu.memory_space<vmem>>, vector<1x16xf32>,
      %swap3A_279 = vector.shape_cast %swap3A_278 : vector<1x16xf32> to vector<16xf32>
      %swap3A_280 = vector.shape_cast %get3A_60 : vector<16xf32> to vector<1x16xf32>
      tpu.vector_store %arg6[%swap3A_276, %swap3A_277], %swap3A_280 {strides = array<i32>} : memref<32x768xf32, #tpu.memory_space<vmem>>, vector<1x16xf32>,
      %swap3A_281 = arith.index_cast %scan3A_101 : i32 to index
      %swap3A_282 = arith.constant 240 : index
      %swap3A_283 = tpu.vector_load %arg6[%swap3A_281, %swap3A_282] {strides = array<i32>} : memref<32x768xf32, #tpu.memory_space<vmem>>, vector<1x16xf32>,
      %swap3A_284 = vector.shape_cast %swap3A_283 : vector<1x16xf32> to vector<16xf32>
      %swap3A_285 = vector.shape_cast %get3A_63 : vector<16xf32> to vector<1x16xf32>
      tpu.vector_store %arg6[%swap3A_281, %swap3A_282], %swap3A_285 {strides = array<i32>} : memref<32x768xf32, #tpu.memory_space<vmem>>, vector<1x16xf32>,
      %add3A_286 = arith.constant 16 : i32
      %add3A_287 = arith.addi %scan3A_101, %add3A_286 : i32
      %swap3A_288 = arith.index_cast %add3A_287 : i32 to index
      %swap3A_289 = arith.constant 240 : index
      %swap3A_290 = tpu.vector_load %arg6[%swap3A_288, %swap3A_289] {strides = array<i32>} : memref<32x768xf32, #tpu.memory_space<vmem>>, vector<1x16xf32>,
      %swap3A_291 = vector.shape_cast %swap3A_290 : vector<1x16xf32> to vector<16xf32>
      %swap3A_292 = vector.shape_cast %get3A_63 : vector<16xf32> to vector<1x16xf32>
      tpu.vector_store %arg6[%swap3A_288, %swap3A_289], %swap3A_292 {strides = array<i32>} : memref<32x768xf32, #tpu.memory_space<vmem>>, vector<1x16xf32>,
      %swap3A_293 = arith.index_cast %scan3A_101 : i32 to index
      %swap3A_294 = arith.constant 256 : index
      %swap3A_295 = tpu.vector_load %arg6[%swap3A_293, %swap3A_294] {strides = array<i32>} : memref<32x768xf32, #tpu.memory_space<vmem>>, vector<1x16xf32>,
      %swap3A_296 = vector.shape_cast %swap3A_295 : vector<1x16xf32> to vector<16xf32>
      %swap3A_297 = vector.shape_cast %get3A_66 : vector<16xf32> to vector<1x16xf32>
      tpu.vector_store %arg6[%swap3A_293, %swap3A_294], %swap3A_297 {strides = array<i32>} : memref<32x768xf32, #tpu.memory_space<vmem>>, vector<1x16xf32>,
      %add3A_298 = arith.constant 16 : i32
      %add3A_299 = arith.addi %scan3A_101, %add3A_298 : i32
      %swap3A_300 = arith.index_cast %add3A_299 : i32 to index
      %swap3A_301 = arith.constant 256 : index
      %swap3A_302 = tpu.vector_load %arg6[%swap3A_300, %swap3A_301] {strides = array<i32>} : memref<32x768xf32, #tpu.memory_space<vmem>>, vector<1x16xf32>,
      %swap3A_303 = vector.shape_cast %swap3A_302 : vector<1x16xf32> to vector<16xf32>
      %swap3A_304 = vector.shape_cast %get3A_66 : vector<16xf32> to vector<1x16xf32>
      tpu.vector_store %arg6[%swap3A_300, %swap3A_301], %swap3A_304 {strides = array<i32>} : memref<32x768xf32, #tpu.memory_space<vmem>>, vector<1x16xf32>,
      %swap3A_305 = arith.index_cast %scan3A_101 : i32 to index
      %swap3A_306 = arith.constant 272 : index
      %swap3A_307 = tpu.vector_load %arg6[%swap3A_305, %swap3A_306] {strides = array<i32>} : memref<32x768xf32, #tpu.memory_space<vmem>>, vector<1x16xf32>,
      %swap3A_308 = vector.shape_cast %swap3A_307 : vector<1x16xf32> to vector<16xf32>
      %swap3A_309 = vector.shape_cast %get3A_69 : vector<16xf32> to vector<1x16xf32>
      tpu.vector_store %arg6[%swap3A_305, %swap3A_306], %swap3A_309 {strides = array<i32>} : memref<32x768xf32, #tpu.memory_space<vmem>>, vector<1x16xf32>,
      %add3A_310 = arith.constant 16 : i32
      %add3A_311 = arith.addi %scan3A_101, %add3A_310 : i32
      %swap3A_312 = arith.index_cast %add3A_311 : i32 to index
      %swap3A_313 = arith.constant 272 : index
      %swap3A_314 = tpu.vector_load %arg6[%swap3A_312, %swap3A_313] {strides = array<i32>} : memref<32x768xf32, #tpu.memory_space<vmem>>, vector<1x16xf32>,
      %swap3A_315 = vector.shape_cast %swap3A_314 : vector<1x16xf32> to vector<16xf32>
      %swap3A_316 = vector.shape_cast %get3A_69 : vector<16xf32> to vector<1x16xf32>
      tpu.vector_store %arg6[%swap3A_312, %swap3A_313], %swap3A_316 {strides = array<i32>} : memref<32x768xf32, #tpu.memory_space<vmem>>, vector<1x16xf32>,
      %swap3A_317 = arith.index_cast %scan3A_101 : i32 to index
      %swap3A_318 = arith.constant 288 : index
      %swap3A_319 = tpu.vector_load %arg6[%swap3A_317, %swap3A_318] {strides = array<i32>} : memref<32x768xf32, #tpu.memory_space<vmem>>, vector<1x16xf32>,
      %swap3A_320 = vector.shape_cast %swap3A_319 : vector<1x16xf32> to vector<16xf32>
      %swap3A_321 = vector.shape_cast %get3A_72 : vector<16xf32> to vector<1x16xf32>
      tpu.vector_store %arg6[%swap3A_317, %swap3A_318], %swap3A_321 {strides = array<i32>} : memref<32x768xf32, #tpu.memory_space<vmem>>, vector<1x16xf32>,
      %add3A_322 = arith.constant 16 : i32
      %add3A_323 = arith.addi %scan3A_101, %add3A_322 : i32
      %swap3A_324 = arith.index_cast %add3A_323 : i32 to index
      %swap3A_325 = arith.constant 288 : index
      %swap3A_326 = tpu.vector_load %arg6[%swap3A_324, %swap3A_325] {strides = array<i32>} : memref<32x768xf32, #tpu.memory_space<vmem>>, vector<1x16xf32>,
      %swap3A_327 = vector.shape_cast %swap3A_326 : vector<1x16xf32> to vector<16xf32>
      %swap3A_328 = vector.shape_cast %get3A_72 : vector<16xf32> to vector<1x16xf32>
      tpu.vector_store %arg6[%swap3A_324, %swap3A_325], %swap3A_328 {strides = array<i32>} : memref<32x768xf32, #tpu.memory_space<vmem>>, vector<1x16xf32>,
      %swap3A_329 = arith.index_cast %scan3A_101 : i32 to index
      %swap3A_330 = arith.constant 304 : index
      %swap3A_331 = tpu.vector_load %arg6[%swap3A_329, %swap3A_330] {strides = array<i32>} : memref<32x768xf32, #tpu.memory_space<vmem>>, vector<1x16xf32>,
      %swap3A_332 = vector.shape_cast %swap3A_331 : vector<1x16xf32> to vector<16xf32>
      %swap3A_333 = vector.shape_cast %get3A_75 : vector<16xf32> to vector<1x16xf32>
      tpu.vector_store %arg6[%swap3A_329, %swap3A_330], %swap3A_333 {strides = array<i32>} : memref<32x768xf32, #tpu.memory_space<vmem>>, vector<1x16xf32>,
      %add3A_334 = arith.constant 16 : i32
      %add3A_335 = arith.addi %scan3A_101, %add3A_334 : i32
      %swap3A_336 = arith.index_cast %add3A_335 : i32 to index
      %swap3A_337 = arith.constant 304 : index
      %swap3A_338 = tpu.vector_load %arg6[%swap3A_336, %swap3A_337] {strides = array<i32>} : memref<32x768xf32, #tpu.memory_space<vmem>>, vector<1x16xf32>,
      %swap3A_339 = vector.shape_cast %swap3A_338 : vector<1x16xf32> to vector<16xf32>
      %swap3A_340 = vector.shape_cast %get3A_75 : vector<16xf32> to vector<1x16xf32>
      tpu.vector_store %arg6[%swap3A_336, %swap3A_337], %swap3A_340 {strides = array<i32>} : memref<32x768xf32, #tpu.memory_space<vmem>>, vector<1x16xf32>,
      %swap3A_341 = arith.index_cast %scan3A_101 : i32 to index
      %swap3A_342 = arith.constant 320 : index
      %swap3A_343 = tpu.vector_load %arg6[%swap3A_341, %swap3A_342] {strides = array<i32>} : memref<32x768xf32, #tpu.memory_space<vmem>>, vector<1x16xf32>,
      %swap3A_344 = vector.shape_cast %swap3A_343 : vector<1x16xf32> to vector<16xf32>
      %swap3A_345 = vector.shape_cast %get3A_78 : vector<16xf32> to vector<1x16xf32>
      tpu.vector_store %arg6[%swap3A_341, %swap3A_342], %swap3A_345 {strides = array<i32>} : memref<32x768xf32, #tpu.memory_space<vmem>>, vector<1x16xf32>,
      %add3A_346 = arith.constant 16 : i32
      %add3A_347 = arith.addi %scan3A_101, %add3A_346 : i32
      %swap3A_348 = arith.index_cast %add3A_347 : i32 to index
      %swap3A_349 = arith.constant 320 : index
      %swap3A_350 = tpu.vector_load %arg6[%swap3A_348, %swap3A_349] {strides = array<i32>} : memref<32x768xf32, #tpu.memory_space<vmem>>, vector<1x16xf32>,
      %swap3A_351 = vector.shape_cast %swap3A_350 : vector<1x16xf32> to vector<16xf32>
      %swap3A_352 = vector.shape_cast %get3A_78 : vector<16xf32> to vector<1x16xf32>
      tpu.vector_store %arg6[%swap3A_348, %swap3A_349], %swap3A_352 {strides = array<i32>} : memref<32x768xf32, #tpu.memory_space<vmem>>, vector<1x16xf32>,
      %swap3A_353 = arith.index_cast %scan3A_101 : i32 to index
      %swap3A_354 = arith.constant 336 : index
      %swap3A_355 = tpu.vector_load %arg6[%swap3A_353, %swap3A_354] {strides = array<i32>} : memref<32x768xf32, #tpu.memory_space<vmem>>, vector<1x16xf32>,
      %swap3A_356 = vector.shape_cast %swap3A_355 : vector<1x16xf32> to vector<16xf32>
      %swap3A_357 = vector.shape_cast %get3A_81 : vector<16xf32> to vector<1x16xf32>
      tpu.vector_store %arg6[%swap3A_353, %swap3A_354], %swap3A_357 {strides = array<i32>} : memref<32x768xf32, #tpu.memory_space<vmem>>, vector<1x16xf32>,
      %add3A_358 = arith.constant 16 : i32
      %add3A_359 = arith.addi %scan3A_101, %add3A_358 : i32
      %swap3A_360 = arith.index_cast %add3A_359 : i32 to index
      %swap3A_361 = arith.constant 336 : index
      %swap3A_362 = tpu.vector_load %arg6[%swap3A_360, %swap3A_361] {strides = array<i32>} : memref<32x768xf32, #tpu.memory_space<vmem>>, vector<1x16xf32>,
      %swap3A_363 = vector.shape_cast %swap3A_362 : vector<1x16xf32> to vector<16xf32>
      %swap3A_364 = vector.shape_cast %get3A_81 : vector<16xf32> to vector<1x16xf32>
      tpu.vector_store %arg6[%swap3A_360, %swap3A_361], %swap3A_364 {strides = array<i32>} : memref<32x768xf32, #tpu.memory_space<vmem>>, vector<1x16xf32>,
      %swap3A_365 = arith.index_cast %scan3A_101 : i32 to index
      %swap3A_366 = arith.constant 352 : index
      %swap3A_367 = tpu.vector_load %arg6[%swap3A_365, %swap3A_366] {strides = array<i32>} : memref<32x768xf32, #tpu.memory_space<vmem>>, vector<1x16xf32>,
      %swap3A_368 = vector.shape_cast %swap3A_367 : vector<1x16xf32> to vector<16xf32>
      %swap3A_369 = vector.shape_cast %get3A_84 : vector<16xf32> to vector<1x16xf32>
      tpu.vector_store %arg6[%swap3A_365, %swap3A_366], %swap3A_369 {strides = array<i32>} : memref<32x768xf32, #tpu.memory_space<vmem>>, vector<1x16xf32>,
      %add3A_370 = arith.constant 16 : i32
      %add3A_371 = arith.addi %scan3A_101, %add3A_370 : i32
      %swap3A_372 = arith.index_cast %add3A_371 : i32 to index
      %swap3A_373 = arith.constant 352 : index
      %swap3A_374 = tpu.vector_load %arg6[%swap3A_372, %swap3A_373] {strides = array<i32>} : memref<32x768xf32, #tpu.memory_space<vmem>>, vector<1x16xf32>,
      %swap3A_375 = vector.shape_cast %swap3A_374 : vector<1x16xf32> to vector<16xf32>
      %swap3A_376 = vector.shape_cast %get3A_84 : vector<16xf32> to vector<1x16xf32>
      tpu.vector_store %arg6[%swap3A_372, %swap3A_373], %swap3A_376 {strides = array<i32>} : memref<32x768xf32, #tpu.memory_space<vmem>>, vector<1x16xf32>,
      %swap3A_377 = arith.index_cast %scan3A_101 : i32 to index
      %swap3A_378 = arith.constant 368 : index
      %swap3A_379 = tpu.vector_load %arg6[%swap3A_377, %swap3A_378] {strides = array<i32>} : memref<32x768xf32, #tpu.memory_space<vmem>>, vector<1x16xf32>,
      %swap3A_380 = vector.shape_cast %swap3A_379 : vector<1x16xf32> to vector<16xf32>
      %swap3A_381 = vector.shape_cast %get3A_87 : vector<16xf32> to vector<1x16xf32>
      tpu.vector_store %arg6[%swap3A_377, %swap3A_378], %swap3A_381 {strides = array<i32>} : memref<32x768xf32, #tpu.memory_space<vmem>>, vector<1x16xf32>,
      %add3A_382 = arith.constant 16 : i32
      %add3A_383 = arith.addi %scan3A_101, %add3A_382 : i32
      %swap3A_384 = arith.index_cast %add3A_383 : i32 to index
      %swap3A_385 = arith.constant 368 : index
      %swap3A_386 = tpu.vector_load %arg6[%swap3A_384, %swap3A_385] {strides = array<i32>} : memref<32x768xf32, #tpu.memory_space<vmem>>, vector<1x16xf32>,
      %swap3A_387 = vector.shape_cast %swap3A_386 : vector<1x16xf32> to vector<16xf32>
      %swap3A_388 = vector.shape_cast %get3A_87 : vector<16xf32> to vector<1x16xf32>
      tpu.vector_store %arg6[%swap3A_384, %swap3A_385], %swap3A_388 {strides = array<i32>} : memref<32x768xf32, #tpu.memory_space<vmem>>, vector<1x16xf32>,
    }
    %scan3A_92 = arith.constant 16 : i32
    %dma_wait3A_93 = arith.constant 0 : i32
    %dma_wait3A_94 = arith.constant 384 : i32
    %dma_wait3A_95 = tpu.memref_slice %arg6[%dma_wait3A_93, %dma_wait3A_94] : memref<32x768xf32, #tpu.memory_space<vmem>> -> memref<32x384xf32, #tpu.memory_space<vmem>>
    %dma_wait3A_96 = arith.constant 0 : i32
    %dma_wait3A_97 = arith.constant 384 : i32
    %dma_wait3A_98 = tpu.memref_slice %arg6[%dma_wait3A_96, %dma_wait3A_97] : memref<32x768xf32, #tpu.memory_space<vmem>> -> memref<32x384xf32, #tpu.memory_space<vmem>>
    tpu.wait_dma2 semaphore(%arg7 : memref<!tpu.dma_semaphore, #tpu.memory_space<semaphore_mem>>) src(%arg3 : memref<32x384xf32, #tpu.memory_space<hbm>>) dst(%dma_wait3A_98 : memref<32x384xf32, #tpu.memory_space<vmem>>)
    %mul3A_99 = arith.constant 32 : i32
    %mul3A_100 = arith.muli %add3A, %mul3A_99 : i32
    "tpu.region"() ({
      %run_scoped3A = tpu.sem_alloc : memref<!tpu.dma_semaphore, #tpu.memory_space<semaphore_mem>>
      %dma_start3A_101 = arith.constant 0 : i32
      %dma_start3A_102 = tpu.memref_slice %arg4[%mul3A_100, %dma_start3A_101] : memref<1024x768xf32, #tpu.memory_space<hbm>> -> memref<32x768xf32, #tpu.memory_space<hbm>>
      %dma_start3A_103 = arith.constant 0 : i32
      %dma_start3A_104 = tpu.memref_slice %arg4[%mul3A_100, %dma_start3A_103] : memref<1024x768xf32, #tpu.memory_space<hbm>> -> memref<32x768xf32, #tpu.memory_space<hbm>>
      tpu.enqueue_dma source(%arg6 : memref<32x768xf32, #tpu.memory_space<vmem>>) target(%dma_start3A_104 : memref<32x768xf32, #tpu.memory_space<hbm>>) target_semaphore(%run_scoped3A : memref<!tpu.dma_semaphore, #tpu.memory_space<semaphore_mem>>)
      %dma_wait3A_105 = arith.constant 0 : i32
      %dma_wait3A_106 = tpu.memref_slice %arg4[%mul3A_100, %dma_wait3A_105] : memref<1024x768xf32, #tpu.memory_space<hbm>> -> memref<32x768xf32, #tpu.memory_space<hbm>>
      %dma_wait3A_107 = arith.constant 0 : i32
      %dma_wait3A_108 = tpu.memref_slice %arg4[%mul3A_100, %dma_wait3A_107] : memref<1024x768xf32, #tpu.memory_space<hbm>> -> memref<32x768xf32, #tpu.memory_space<hbm>>
      tpu.wait_dma2 semaphore(%run_scoped3A : memref<!tpu.dma_semaphore, #tpu.memory_space<semaphore_mem>>) src(%arg6 : memref<32x768xf32, #tpu.memory_space<vmem>>) dst(%dma_wait3A_108 : memref<32x768xf32, #tpu.memory_space<hbm>>)
      tpu.yield
    }) : () -> ()
    return
  }
}

</mosaic_0001>

<sc_bundles>
// kernel: kernel.3.cloned.1.call-start
scs
__scs_entry_jumppad:
0x0: {  	(pc) =	sbr.rel $0x88, $3  }
0x1: {  	(tag) =	ssettag $0x0;
	lr =	simm.s32 $0x1  }
0x2: {  	[smem:$0x3F9F] =	sst lr;
	_ =	strace $0xD0000000  }
0x3: {  	_ = 	snop  }
0x4: {  	_ = 	snop  }
0x5: {  	_ = 	snop  }
0x6: {  	_ = 	snop  }
0x7: {  	_ = 	snop  }
__scs_overlays_trampoline_lowered:
0x8: {  	[smem:$0x3FAE] =	sst s0  }
0x9: {  	[smem:$0x3FAF] =	sst s1  }
0xa: {  	[smem:$0x3FB0] =	sst s2  }
0xb: {  	[smem:$0x3FB1] =	sst s3  }
0xc: {  	[smem:$0x3FB2] =	sst s4  }
0xd: {  	[smem:$0x3FB3] =	sst s5  }
0xe: {  	[smem:$0x3FB4] =	sst s6  }
0xf: {  	[smem:$0x3FB5] =	sst s7  }
0x10: {  	[smem:$0x3FB6] =	sst s8  }
0x11: {  	[smem:$0x3FB7] =	sst s9;
	s0 =	simm.s32 @!p0 $0x0  }
0x12: {  	s1 =	sld [smem:$0x3F9D];
	s0 =	simm.s32 @p0 $0x1  }
0x13: {  	[smem:$0x3FB8] =	sst s0;
	s0 =	simm.s32 @!p1 $0x0  }
0x14: {  	s2 =	sld [smem:$0x3F9C];
	s0 =	simm.s32 @p1 $0x1  }
0x15: {  	[smem:$0x3FB9] =	sst s0;
	s0 =	simm.s32 @!p2 $0x0  }
0x16: {  	s3 =	sld [smem:$0x3FDB];
	s0 =	simm.s32 @p2 $0x1  }
0x17: {  	s4 =	simm.s32 $0x1BF5;
	[smem:$0x3FBB] =	sst s0  }
0x18: {  	s0 =	sld [smem:$0x3F9E];
	_ =	swait.ge [sflag:s4], $0x0  }
0x19: {  	s7 =	sld [smem:$0x3F9F]  }
0x1a: {  	s8 =	sadd.s32 $0xFFFFE003, lr  }
0x1b: {  	s9 =	sadd.s32 $0xFFFFFEF7, lr;
	s5 =	simm.s32 $0xFFFFFFFF;
	p2 =	slt.u32 s8, $0xFFFFF086  }
0x1c: {  	p1 =	slt.u32 s9, $0xF7A;
	s5 =	simm.s32 @!p2 $0x0  }
0x1d: {  	s5 =	simm.s32 @p1 $0x1;
	p0 =	seq.s32 s7, s2  }
0x1e: {  	s7 =	smul.u32 @!p0 $0xF7A, s2;
	p2 =	seq.s32 @!p0 s5, $0x0  }
0x1f: {  	s9 =	smul.u32 $0xF7A, s1;
	s8 =	simm.s32 @!p0 $0x1BF5;
	p2 =	por !p2, p0  }
0x20: {  	[sflag:s8] =	ssyncset.s32 @!p0 $0xFFFFF086;
	s6 =	sadd.s32 @!p0 s3, s7;
	s7 =	simm.s32 @!p0 $0x108  }
0x21: {  	s3 =	sadd.s32 s3, s9;
	s6 =	sadd.s32 @!p0 $0x88, s6;
	s7 =	simm.s32 @p2 $0x1082  }
0x22: {  	[simem:s7], [sflag:s8] =	dma.local @!p0 [hbm:s6], $0xF7A  }
0x23: {  	s9 =	sor.u32 $0xD0000000, s2;
	s6 =	simm.s32 $0x108;
	_ =	swait.ge @!p0 [sflag:s8], $0x0  }
0x24: {  	s3 =	sadd.s32 $0x88, s3;
	s6 =	simm.s32 @!p1 $0x1082;
	[sflag:s4] =	ssyncset.s32 $0xFFFFF086  }
0x25: {  	[simem:s6], [sflag:s4] =	dma.local [hbm:s3], $0xF7A  }
0x26: {  	[smem:$0x3F9F] =	sst s1;
	(tag) =	ssettag s2;
	_ =	strace s9  }
0x27: {  	s1 =	sld [smem:$0x3FAF]  }
0x28: {  	s2 =	sld [smem:$0x3FB0]  }
0x29: {  	s4 =	sld [smem:$0x3FB2]  }
0x2a: {  	p0 =	seq.s32 s5, $0x0;
	s5 =	sld [smem:$0x3FB3]  }
0x2b: {  	s6 =	sld [smem:$0x3FB4]  }
0x2c: {  	s7 =	sld [smem:$0x3FB5]  }
0x2d: {  	s3 =	simm.s32 $0x108;
	s8 =	sld [smem:$0x3FB6]  }
0x2e: {  	s3 =	simm.s32 @!p0 $0x1082;
	s9 =	sld [smem:$0x3FB7]  }
0x2f: {  	lr =	sadd.s32 s0, s3;
	s0 =	sld [smem:$0x3FAE]  }
0x30: {  	s3 =	sld [smem:$0x3FB1]  }
0x31: {  	[smem:$0x3FBA] =	sst s10  }
0x32: {  	s10 =	sld [smem:$0x3FB8];
	_ =	sdelay $0x3  }
0x33: {  	p0 =	seq.s32 s10, $0x1;
	s10 =	sld [smem:$0x3FBA];
	_ =	sdelay $0x3  }
0x34: {  	[smem:$0x3FBA] =	sst s10  }
0x35: {  	s10 =	sld [smem:$0x3FB9];
	_ =	sdelay $0x3  }
0x36: {  	p1 =	seq.s32 s10, $0x1;
	s10 =	sld [smem:$0x3FBA];
	_ =	sdelay $0x3  }
0x37: {  	[smem:$0x3FBA] =	sst s10  }
0x38: {  	s10 =	sld [smem:$0x3FBB]  }
0x39: {  	_ = 	snop;
	(pc) =	sbr.ind lr, $3  }
0x3a: {  	_ = 	snop  }
0x3b: {  	_ = 	snop  }
0x3c: {  	p2 =	seq.s32 s10, $0x1;
	s10 =	sld [smem:$0x3FBA]  }
0x3d: {  	_ =	shalt  }
0x3e: {  	_ =	shalt  }
0x3f: {  	_ =	shalt  }
0x40: {  	_ =	shalt  }
0x41: {  	_ =	shalt  }
0x42: {  	_ =	shalt  }
0x43: {  	_ =	shalt  }
0x44: {  	_ =	shalt  }
0x45: {  	_ =	shalt  }
0x46: {  	_ =	shalt  }
0x47: {  	_ =	shalt  }
0x48: {  	_ =	shalt  }
0x49: {  	_ =	shalt  }
0x4a: {  	_ =	shalt  }
0x4b: {  	_ =	shalt  }
0x4c: {  	_ =	shalt  }
0x4d: {  	_ =	shalt  }
0x4e: {  	_ =	shalt  }
0x4f: {  	_ =	shalt  }
0x50: {  	_ =	shalt  }
0x51: {  	_ =	shalt  }
0x52: {  	_ =	shalt  }
0x53: {  	_ =	shalt  }
0x54: {  	_ =	shalt  }
0x55: {  	_ =	shalt  }
0x56: {  	_ =	shalt  }
0x57: {  	_ =	shalt  }
0x58: {  	_ =	shalt  }
0x59: {  	_ =	shalt  }
0x5a: {  	_ =	shalt  }
0x5b: {  	_ =	shalt  }
0x5c: {  	_ =	shalt  }
0x5d: {  	_ =	shalt  }
0x5e: {  	_ =	shalt  }
0x5f: {  	_ =	shalt  }
0x60: {  	_ =	shalt  }
0x61: {  	_ =	shalt  }
0x62: {  	_ =	shalt  }
0x63: {  	_ =	shalt  }
0x64: {  	_ =	shalt  }
0x65: {  	_ =	shalt  }
0x66: {  	_ =	shalt  }
0x67: {  	_ =	shalt  }
0x68: {  	_ =	shalt  }
0x69: {  	_ =	shalt  }
0x6a: {  	_ =	shalt  }
0x6b: {  	_ =	shalt  }
0x6c: {  	_ =	shalt  }
0x6d: {  	_ =	shalt  }
0x6e: {  	_ =	shalt  }
0x6f: {  	_ =	shalt  }
0x70: {  	_ =	shalt  }
0x71: {  	_ =	shalt  }
0x72: {  	_ =	shalt  }
0x73: {  	_ =	shalt  }
0x74: {  	_ =	shalt  }
0x75: {  	_ =	shalt  }
0x76: {  	_ =	shalt  }
0x77: {  	_ =	shalt  }
0x78: {  	_ =	shalt  }
0x79: {  	_ =	shalt  }
0x7a: {  	_ =	shalt  }
0x7b: {  	_ =	shalt  }
0x7c: {  	_ =	shalt  }
0x7d: {  	_ =	shalt  }
0x7e: {  	_ =	shalt  }
0x7f: {  	_ =	shalt  }
0x80: {  	_ =	shalt  }
0x81: {  	_ =	shalt  }
0x82: {  	_ =	shalt  }
0x83: {  	_ =	shalt  }
0x84: {  	_ =	shalt  }
0x85: {  	_ =	shalt  }
0x86: {  	_ =	shalt  }
0x87: {  	_ =	shalt  }
.Lfunc_end0:
.L_simem_size_0:
called_computation_lowered:
.L_overlay_start_0:
0x88: {  	s2 =	sld [smem:$0x3FD9]  }
0x89: {  	s3 =	sld [smem:$0x3FFE];
	_ =	sdelay $0x1  }
0x8a: {  	s1 =	srdreg.scid  }
0x8b: {  	s0 =	sand.u32 $0x1, s1  }
0x8c: {  	s18 =	sshll.u32 s0, $0xA;
	s2 =	sadd.s32 s3, s2  }
0x8d: {  	s2 =	sadd.s32 s2, s18  }
0x8e: {  	[smem:$0x3FC6] =	sst s2  }
0x8f: {  	_ = 	snop  }
0x90: {  	s2 =	sld [smem:$0x3FC9]  }
0x91: {  	s19 =	sld [smem:$0x3FC8]  }
0x92: {  	s4 =	sld [smem:$0x3FD0];
	(tm) =	ssettm $0x1  }
0x93: {  	s5 =	sld [smem:$0x3FFB];
	_ =	sdelay $0x3  }
0x94: {  	_ =	strace s5  }
0x95: {  	s5 =	sld [smem:$0x3FFC];
	_ =	sdelay $0x3  }
0x96: {  	_ =	strace s5  }
0x97: {  	s5 =	sld [smem:$0x3FFD];
	_ =	sdelay $0x3  }
0x98: {  	_ =	strace s5  }
0x99: {  	_ =	strace $0x8FFFFFFF  }
0x9a: {  	s20 =	sld [smem:$0x3FDB];
	_ =	sdelay $0x1  }
0x9b: {  	s6 =	simm.s32 $_scs_section_size  }
0x9c: {  	s7 =	simm.s32 $_size__tile_overlayer_lowered;
	s8 =	simm.s32 $_tile_overlayer_lowered  }
0x9d: {  	s23 =	simm.s32 $0x1BFF;
	s22 =	sshll.u32 s8, $0x1;
	s5 =	sadd.s32 s6, s20  }
0x9e: {  	s9 =	simm.s32 $0x0;
	s21 =	sshll.u32 s7, $0x1;
	s7 =	sadd.s32 s22, s5  }
0x9f: {  	[timem:s9], [sflag:s23] =	dma.local [hbm:s7], s21  }
0xa0: {  	_ =	swait.ge [sflag:s23], s21  }
0xa1: {  	s6 =	ssub.s32 $0x0, s21;
	[sflag:s23] =	ssyncset.done $0x0  }
0xa2: {  	[sflag:s23] =	ssyncadd.s32 s6;
	_ =	sdelay $0x1  }
0xa3: {  	s24 =	simm.s32 $0x1B8B  }
0xa4: {  	_ =	swait.ge [sflag:s24], $0x1  }
0xa5: {  	[sflag:s24] =	ssyncset.done $0x0  }
0xa6: {  	s25 =	simm.s32 $0x1B8E;
	[sflag:s24] =	ssyncadd.s32 $0xFFFFFFFF  }
0xa7: {  	s26 =	simm.s32 $execute0_lowered;
	[smem:$0x3FD2] =	sst s25  }
0xa8: {  	s6 =	sshll.u32 s26, $0x1;
	_ =	strace $0x80000046;
	[dreg:$0x1] =	wrdreg $0xFFFFFFFF  }
0xa9: {  	s28 =	simm.s32 $_size_execute0_lowered;
	s5 =	sadd.s32 s5, s6;
	[dreg:$0x0] =	wrdreg $0x0  }
0xaa: {  	s6 =	sshll.u32 s28, $0x1;
	[dreg:$0x2] =	wrdreg s5  }
0xab: {  	[dreg:$0x3] =	wrdreg s6  }
0xac: {  	[dreg:$0x4] =	wrdreg $0xC0  }
0xad: {  	_ =	task [dreg:s9], $0x5FFFF  }
0xae: {  	[dreg:$0x1] =	wrdreg $0xFFFFFFFF  }
0xaf: {  	[dreg:$0x0] =	wrdreg $0x60  }
0xb0: {  	[dreg:$0x2] =	wrdreg s2  }
0xb1: {  	[dreg:$0x3] =	wrdreg s19  }
0xb2: {  	[dreg:$0x4] =	wrdreg s4  }
0xb3: {  	[dreg:$0x5] =	wrdreg $0x9  }
0xb4: {  	_ =	task.clear_ibuf [dreg:s9], $0x6FFFF;
	_ =	strace $0x90000046  }
0xb5: {  	s29 =	simm.s32 $0x9;
	_ =	strace $0x80000048  }
0xb6: {  	_ =	swait.ge [sflag:s29], $0x1  }
0xb7: {  	[sflag:s29] =	ssyncadd.s32 $0xFFFFFFFF  }
0xb8: {  	_ =	strace $0x90000048  }
0xb9: {  	_ =	sfence  }
0xba: {  	s30 =	sld [smem:$0x0];
	_ =	sdelay $0x2  }
0xbb: {  	s31 =	sshll.u32 s1, $0xD;
	s1 =	sshrl.u32 s1, $0x2  }
0xbc: {  	s3 =	sand.u32 $0x4000, s31;
	s1 =	sadd.s32 s1, s30  }
0xbd: {  	s0 =	sor.u32 s3, s0;
	s1 =	sshll.u32 s1, $0x11  }
0xbe: {  	s0 =	sor.u32 s1, s0  }
0xbf: {  	s0 =	sadd.s32 $0x8F2B, s0  }
0xc0: {  	[sflag:s0] =	ssyncadd.remote.s32 $0x1  }
0xc1: {  	_ =	sfence.sel $0xFFFF  }
0xc2: {  	[dreg:$0x0] =	wrdreg $0xFFFFFFFF;
	(pc) =	sbr.abs _section_cstart, $3  }
0xc3: {  	[dreg:$0x1] =	wrdreg $0xFFFFFFFF  }
0xc4: {  	_ =	task.clear_ibuf [dreg:s9], $0x2FFFF;
	_ =	strace $0x9FFFFFFF  }
0xc5: {  	(tm) =	ssettm $0x7FFFFFFF  }
tec
execute0_lowered:
.L_overlay_start_1:
0x0: {  	(tag) =	ssettag $0x1  }
0x1: {  	s4 =	rddreg [dreg:$0x0]  }
0x2: {  	s2 =	rddreg [dreg:$0x1];
	s1 =	srdreg.scid  }
0x3: {  	s0 =	stileid.u32;
	s5 =	rddreg [dreg:$0x2];
	s10 =	simm.s32 $0x80  }
0x4: {  	s11 =	simm.s32 $0x400;
	s12 =	simm.s32 $0xD80;
	s13 =	simm.s32 $0x2580  }
0x5: {  	s14 =	simm.s32 $0x3D80;
	s15 =	simm.s32 $0x5580;
	s16 =	simm.s32 $0x2  }
0x6: {  	s17 =	simm.s32 $0x1;
	s18 =	simm.s32 $0x180;
	s19 =	simm.s32 $0x3  }
0x7: {  	s20 =	simm.s32 $0x0;
	s6 =	sand.u32 $0x1, s1;
	s3 =	sshll.u32 s0, $0x1  }
0x8: {  	s1 =	rddreg [dreg:$0x3];
	s8 =	sshrl.u32 s0, $0x2;
	s7 =	sor.u32 s6, s3  }
0x9: {  	s3 =	simm.s32 $0x0;
	s8 =	smul.u32 $0xC00, s8;
	s6 =	ssub.s32 $0x2, s6  }
0xa: {  	s9 =	sshll.u32 s7, $0x7;
	[smem:$0x7FF] =	sst s3;
	s7 =	smul.u32 $0xC00, s7  }
0xb: {  	s31 =	sshrl.u32 s6, $0x1;
	s9 =	sand.u32 $0x380, s9;
	_ =	strace $0x80000047  }
0xc: {  	s6 =	ssub.s32 s6, s31;
	s8 =	sor.u32 s8, s9;
	s5 =	sadd.s32 s5, s7  }
0xd: {  	s6 =	smax.u32 s6, $0x1;
	s7 =	sadd.s32 $0x180, s2;
	s8 =	sshrl.u32 s8, $0x3  }
0xe: {  	s9 =	sadd.s32 $0x480, s2;
	s4 =	sadd.s32 s4, s8;
	s8 =	sadd.s32 $0x300, s2  }
.LBB2_1:
0xf: {  	[tilespmem:s3], [sflag:$0x2] =	stream.strided.gather [hbm4b:s4+s10], $0x180, s11, s10, $0x38;
	[tilespmem:$0x6180] =	vst v63  }
0x10: {  	_ = 	snop  }
0x11: {  	[tilespmem:s12], [sflag:$0x1] =	stream.linear.gather [hbm4b:s2+s3], $0xC00, $0x38;
	[tilespmem:$0x6180] =	vst v63  }
0x12: {  	_ = 	snop  }
0x13: {  	[tilespmem:s13], [sflag:$0x1] =	stream.linear.gather [hbm4b:s7+s3], $0xC00, $0x38;
	[tilespmem:$0x6180] =	vst v63  }
0x14: {  	_ = 	snop  }
0x15: {  	[tilespmem:s14], [sflag:$0x1] =	stream.linear.gather [hbm4b:s8+s3], $0xC00, $0x38;
	[tilespmem:$0x6180] =	vst v63  }
0x16: {  	_ = 	snop  }
0x17: {  	[tilespmem:s15], [sflag:$0x1] =	stream.linear.gather [hbm4b:s9+s3], $0xC00, $0x38;
	[tilespmem:$0x6180] =	vst v63  }
0x18: {  	_ =	swait.ge [sflag:s16], $0x180  }
0x19: {  	[sflag:s16] =	ssyncset.done $0x0  }
0x1a: {  	[sflag:s16] =	ssyncadd.s32 $0xFFFFFE80  }
0x1b: {  	v23 =	vld [tilespmem:$0x0]  }
0x1c: {  	v22 =	vld [tilespmem:$0x10]  }
0x1d: {  	v21 =	vld [tilespmem:$0x20]  }
0x1e: {  	v20 =	vld [tilespmem:$0x30]  }
0x1f: {  	v19 =	vld [tilespmem:$0x40]  }
0x20: {  	v18 =	vld [tilespmem:$0x50]  }
0x21: {  	v17 =	vld [tilespmem:$0x60]  }
0x22: {  	v16 =	vld [tilespmem:$0x70]  }
0x23: {  	v15 =	vld [tilespmem:$0x80]  }
0x24: {  	v14 =	vld [tilespmem:$0x90]  }
0x25: {  	v13 =	vld [tilespmem:$0xA0]  }
0x26: {  	v12 =	vld [tilespmem:$0xB0]  }
0x27: {  	v11 =	vld [tilespmem:$0xC0]  }
0x28: {  	v10 =	vld [tilespmem:$0xD0]  }
0x29: {  	v9 =	vld [tilespmem:$0xE0]  }
0x2a: {  	v8 =	vld [tilespmem:$0xF0]  }
0x2b: {  	v7 =	vld [tilespmem:$0x100]  }
0x2c: {  	v3 =	vld [tilespmem:$0x110]  }
0x2d: {  	s21 =	simm.s32 $0x0;
	v0 =	vld [tilespmem:$0x170]  }
0x2e: {  	s21 =	smul.u32 $0x6000, s21;
	v1 =	vld [tilespmem:$0x120]  }
0x2f: {  	v4 =	vld [tilespmem:$0x130]  }
0x30: {  	s22 =	sand.u32 $0x380, s3;
	s21 =	sshra.s32 s21, $0x2;
	v5 =	vld [tilespmem:$0x140]  }
0x31: {  	s21 =	sor.u32 s22, s21;
	v2 =	vld [tilespmem:$0x150]  }
0x32: {  	v6 =	vld [tilespmem:$0x160];
	[tilespmem:s21+$0x39F0] =	vst v0  }
0x33: {  	[tilespmem:s21+$0x180] =	vst v23  }
0x34: {  	[tilespmem:s21+$0x3180] =	vst v23  }
0x35: {  	[tilespmem:s21+$0x190] =	vst v22  }
0x36: {  	[tilespmem:s21+$0x3190] =	vst v22  }
0x37: {  	[tilespmem:s21+$0x1A0] =	vst v21  }
0x38: {  	[tilespmem:s21+$0x31A0] =	vst v21  }
0x39: {  	[tilespmem:s21+$0x1B0] =	vst v20  }
0x3a: {  	[tilespmem:s21+$0x31B0] =	vst v20  }
0x3b: {  	[tilespmem:s21+$0x1C0] =	vst v19  }
0x3c: {  	[tilespmem:s21+$0x31C0] =	vst v19  }
0x3d: {  	[tilespmem:s21+$0x1D0] =	vst v18  }
0x3e: {  	[tilespmem:s21+$0x31D0] =	vst v18  }
0x3f: {  	[tilespmem:s21+$0x1E0] =	vst v17  }
0x40: {  	[tilespmem:s21+$0x31E0] =	vst v17  }
0x41: {  	[tilespmem:s21+$0x1F0] =	vst v16  }
0x42: {  	[tilespmem:s21+$0x31F0] =	vst v16  }
0x43: {  	[tilespmem:s21+$0x580] =	vst v15  }
0x44: {  	[tilespmem:s21+$0x3580] =	vst v15  }
0x45: {  	[tilespmem:s21+$0x590] =	vst v14  }
0x46: {  	[tilespmem:s21+$0x3590] =	vst v14  }
0x47: {  	[tilespmem:s21+$0x5A0] =	vst v13  }
0x48: {  	[tilespmem:s21+$0x35A0] =	vst v13  }
0x49: {  	[tilespmem:s21+$0x5B0] =	vst v12  }
0x4a: {  	[tilespmem:s21+$0x35B0] =	vst v12  }
0x4b: {  	[tilespmem:s21+$0x5C0] =	vst v11  }
0x4c: {  	[tilespmem:s21+$0x35C0] =	vst v11  }
0x4d: {  	[tilespmem:s21+$0x5D0] =	vst v10  }
0x4e: {  	[tilespmem:s21+$0x35D0] =	vst v10  }
0x4f: {  	[tilespmem:s21+$0x5E0] =	vst v9  }
0x50: {  	[tilespmem:s21+$0x35E0] =	vst v9  }
0x51: {  	[tilespmem:s21+$0x5F0] =	vst v8  }
0x52: {  	[tilespmem:s21+$0x35F0] =	vst v8  }
0x53: {  	[tilespmem:s21+$0x980] =	vst v7  }
0x54: {  	[tilespmem:s21+$0x3980] =	vst v7  }
0x55: {  	[tilespmem:s21+$0x990] =	vst v3  }
0x56: {  	[tilespmem:s21+$0x3990] =	vst v3  }
0x57: {  	[tilespmem:s21+$0x9A0] =	vst v1  }
0x58: {  	[tilespmem:s21+$0x39A0] =	vst v1  }
0x59: {  	[tilespmem:s21+$0x9B0] =	vst v4  }
0x5a: {  	[tilespmem:s21+$0x39B0] =	vst v4  }
0x5b: {  	[tilespmem:s21+$0x9C0] =	vst v5  }
0x5c: {  	[tilespmem:s21+$0x39C0] =	vst v5  }
0x5d: {  	s24 =	simm.s32 $0x0;
	s23 =	simm.s32 $0x2;
	s22 =	simm.s32 $0x0;
	[tilespmem:s21+$0x9D0] =	vst v2  }
.LBB2_2:
0x5e: {  	p0 =	sne.s32 s23, $0xF;
	s24 =	smul.u32 $0x6000, s24;
	[tilespmem:s21+$0x39D0] =	vst v2  }
0x5f: {  	s22 =	sadd.s32 $0x80, s22;
	[tilespmem:s21+$0x9E0] =	vst v6  }
0x60: {  	s25 =	sand.u32 $0x380, s22;
	s24 =	sshra.s32 s24, $0x2;
	[tilespmem:s21+$0x39E0] =	vst v6  }
0x61: {  	[tilespmem:s21+$0x9F0] =	vst v0;
	s21 =	sor.u32 s25, s24  }
0x62: {  	[tilespmem:s21+$0x39F0] =	vst v0  }
0x63: {  	[tilespmem:s21+$0x180] =	vst v23  }
0x64: {  	[tilespmem:s21+$0x3180] =	vst v23  }
0x65: {  	[tilespmem:s21+$0x190] =	vst v22  }
0x66: {  	[tilespmem:s21+$0x3190] =	vst v22  }
0x67: {  	[tilespmem:s21+$0x1A0] =	vst v21  }
0x68: {  	[tilespmem:s21+$0x31A0] =	vst v21  }
0x69: {  	[tilespmem:s21+$0x1B0] =	vst v20  }
0x6a: {  	[tilespmem:s21+$0x31B0] =	vst v20  }
0x6b: {  	[tilespmem:s21+$0x1C0] =	vst v19  }
0x6c: {  	[tilespmem:s21+$0x31C0] =	vst v19  }
0x6d: {  	[tilespmem:s21+$0x1D0] =	vst v18  }
0x6e: {  	[tilespmem:s21+$0x31D0] =	vst v18  }
0x6f: {  	[tilespmem:s21+$0x1E0] =	vst v17  }
0x70: {  	[tilespmem:s21+$0x31E0] =	vst v17  }
0x71: {  	[tilespmem:s21+$0x1F0] =	vst v16  }
0x72: {  	[tilespmem:s21+$0x31F0] =	vst v16  }
0x73: {  	[tilespmem:s21+$0x580] =	vst v15  }
0x74: {  	[tilespmem:s21+$0x3580] =	vst v15  }
0x75: {  	[tilespmem:s21+$0x590] =	vst v14  }
0x76: {  	[tilespmem:s21+$0x3590] =	vst v14  }
0x77: {  	[tilespmem:s21+$0x5A0] =	vst v13  }
0x78: {  	[tilespmem:s21+$0x35A0] =	vst v13  }
0x79: {  	[tilespmem:s21+$0x5B0] =	vst v12  }
0x7a: {  	[tilespmem:s21+$0x35B0] =	vst v12  }
0x7b: {  	[tilespmem:s21+$0x5C0] =	vst v11  }
0x7c: {  	[tilespmem:s21+$0x35C0] =	vst v11  }
0x7d: {  	[tilespmem:s21+$0x5D0] =	vst v10  }
0x7e: {  	[tilespmem:s21+$0x35D0] =	vst v10  }
0x7f: {  	[tilespmem:s21+$0x5E0] =	vst v9  }
0x80: {  	[tilespmem:s21+$0x35E0] =	vst v9  }
0x81: {  	[tilespmem:s21+$0x5F0] =	vst v8  }
0x82: {  	[tilespmem:s21+$0x35F0] =	vst v8  }
0x83: {  	[tilespmem:s21+$0x980] =	vst v7  }
0x84: {  	[tilespmem:s21+$0x3980] =	vst v7  }
0x85: {  	[tilespmem:s21+$0x990] =	vst v3  }
0x86: {  	[tilespmem:s21+$0x3990] =	vst v3  }
0x87: {  	[tilespmem:s21+$0x9A0] =	vst v1  }
0x88: {  	[tilespmem:s21+$0x39A0] =	vst v1  }
.Ltmp0:
0x89: {  	[tilespmem:s21+$0x9B0] =	vst v4;
	(pc) =	sbr.rel @p0 .LBB2_2-.Ltmp0, $4  }
0x8a: {  	[tilespmem:s21+$0x39B0] =	vst v4  }
0x8b: {  	[tilespmem:s21+$0x9C0] =	vst v5  }
0x8c: {  	[tilespmem:s21+$0x39C0] =	vst v5  }
0x8d: {  	s24 =	sshrl.u32 s23, $0x3;
	s23 =	sadd.s32 $0x1, s23;
	[tilespmem:s21+$0x9D0] =	vst v2  }
0x8e: {  	s23 =	smul.u32 $0x6000, s24;
	[tilespmem:s21+$0x39D0] =	vst v2  }
0x8f: {  	[tilespmem:s21+$0x9E0] =	vst v6;
	s22 =	sadd.s32 $0x80, s22  }
0x90: {  	[tilespmem:s21+$0x39E0] =	vst v6;
	s22 =	sand.u32 $0x380, s22;
	s23 =	sshra.s32 s23, $0x2  }
0x91: {  	[tilespmem:s21+$0x9F0] =	vst v0;
	s22 =	sor.u32 s22, s23  }
0x92: {  	[tilespmem:s22+$0x39F0] =	vst v0  }
0x93: {  	[tilespmem:s22+$0x180] =	vst v23  }
0x94: {  	[tilespmem:s22+$0x3180] =	vst v23  }
0x95: {  	[tilespmem:s22+$0x190] =	vst v22  }
0x96: {  	[tilespmem:s22+$0x3190] =	vst v22  }
0x97: {  	[tilespmem:s22+$0x1A0] =	vst v21  }
0x98: {  	[tilespmem:s22+$0x31A0] =	vst v21  }
0x99: {  	[tilespmem:s22+$0x1B0] =	vst v20  }
0x9a: {  	[tilespmem:s22+$0x31B0] =	vst v20  }
0x9b: {  	[tilespmem:s22+$0x1C0] =	vst v19  }
0x9c: {  	[tilespmem:s22+$0x31C0] =	vst v19  }
0x9d: {  	[tilespmem:s22+$0x1D0] =	vst v18  }
0x9e: {  	[tilespmem:s22+$0x31D0] =	vst v18  }
0x9f: {  	[tilespmem:s22+$0x1E0] =	vst v17  }
0xa0: {  	[tilespmem:s22+$0x31E0] =	vst v17  }
0xa1: {  	[tilespmem:s22+$0x1F0] =	vst v16  }
0xa2: {  	[tilespmem:s22+$0x31F0] =	vst v16  }
0xa3: {  	[tilespmem:s22+$0x580] =	vst v15  }
0xa4: {  	[tilespmem:s22+$0x3580] =	vst v15  }
0xa5: {  	[tilespmem:s22+$0x590] =	vst v14  }
0xa6: {  	[tilespmem:s22+$0x3590] =	vst v14  }
0xa7: {  	[tilespmem:s22+$0x5A0] =	vst v13  }
0xa8: {  	[tilespmem:s22+$0x35A0] =	vst v13  }
0xa9: {  	[tilespmem:s22+$0x5B0] =	vst v12  }
0xaa: {  	[tilespmem:s22+$0x35B0] =	vst v12  }
0xab: {  	[tilespmem:s22+$0x5C0] =	vst v11  }
0xac: {  	[tilespmem:s22+$0x35C0] =	vst v11  }
0xad: {  	[tilespmem:s22+$0x5D0] =	vst v10  }
0xae: {  	[tilespmem:s22+$0x35D0] =	vst v10  }
0xaf: {  	[tilespmem:s22+$0x5E0] =	vst v9  }
0xb0: {  	[tilespmem:s22+$0x35E0] =	vst v9  }
0xb1: {  	[tilespmem:s22+$0x5F0] =	vst v8  }
0xb2: {  	[tilespmem:s22+$0x35F0] =	vst v8  }
0xb3: {  	[tilespmem:s22+$0x980] =	vst v7  }
0xb4: {  	[tilespmem:s22+$0x3980] =	vst v7  }
0xb5: {  	[tilespmem:s22+$0x990] =	vst v3  }
0xb6: {  	[tilespmem:s22+$0x3990] =	vst v3  }
0xb7: {  	[tilespmem:s22+$0x9A0] =	vst v1  }
0xb8: {  	[tilespmem:s22+$0x39A0] =	vst v1  }
0xb9: {  	[tilespmem:s22+$0x9B0] =	vst v4  }
0xba: {  	[tilespmem:s22+$0x39B0] =	vst v4  }
0xbb: {  	[tilespmem:s22+$0x9C0] =	vst v5  }
0xbc: {  	[tilespmem:s22+$0x39C0] =	vst v5  }
0xbd: {  	[tilespmem:s22+$0x9D0] =	vst v2  }
0xbe: {  	[tilespmem:s22+$0x39D0] =	vst v2  }
0xbf: {  	[tilespmem:s22+$0x9E0] =	vst v6  }
0xc0: {  	[tilespmem:s22+$0x39E0] =	vst v6  }
0xc1: {  	[tilespmem:s22+$0x9F0] =	vst v0  }
0xc2: {  	s20 =	sadd.s32 $0x1, s20;
	_ =	swait.ge [sflag:s17], $0x3000  }
0xc3: {  	p0 =	sne.s32 s20, s6;
	[sflag:s17] =	ssyncset.done $0x0  }
.Ltmp1:
0xc4: {  	[sflag:s17] =	ssyncadd.s32 $0xFFFFD000;
	(pc) =	sbr.rel @p0 .LBB2_1-.Ltmp1, $4  }
0xc5: {  	[hbm4b:s5+s3] =	stream.linear.scatter [tilespmem:s18], [sflag:$0x3], $0x6000, $0x38;
	[tilespmem:$0x6180] =	vst v63  }
0xc6: {  	_ =	swait.ge [sflag:s19], $0x6000  }
0xc7: {  	[sflag:s19] =	ssyncset.done $0x0  }
0xc8: {  	[sflag:s19] =	ssyncadd.s32 $0xFFFFA000  }
0xc9: {  	_ =	sfence.sel $0x180000  }
0xca: {  	[bflag:$0x0] =	sbarrier.arrive $0xFFFF  }
0xcb: {  	p0 =	sne.s32 s0, $0x0;
	_ =	strace $0x90000047  }
0xcc: {  	s0 =	sadd.s32 @!p0 $0x100000, s1;
	[bflag:$0x2] =	sbarrier.arrive $0xFFFF  }
0xcd: {  	[sflag:s0] =	ssyncadd.tile.s32 @!p0 $0x1;
	_ =	shalt  }
.Lfunc_end2:
_tile_overlayer_lowered:
.L_overlay_start_2:
0xce: {  	(tag) =	ssettag $0x2  }
0xcf: {  	s0 =	rddreg [dreg:$0x0];
	s2 =	stileid.u32  }
0xd0: {  	s1 =	rddreg [dreg:$0x1];
	p0 =	sne.s32 s2, $0x0  }
0xd1: {  	s3 =	rddreg [dreg:$0x2];
	[bflag:$0x3] =	sbarrier.arrive $0xFFFF;
	s2 =	simm.s32 @!p0 $0x1C03  }
0xd2: {  	[timem:s3], [sflag:s2] =	dma.local @!p0 [hbm:s0], s1  }
0xd3: {  	s0 =	simm.s32 @!p0 $0x3  }
0xd4: {  	_ =	swait.ge @!p0 [sflag:s0], s1  }
0xd5: {  	s1 =	ssub.s32 @!p0 $0x0, s1;
	[sflag:s0] =	ssyncset.done @!p0 $0x0  }
0xd6: {  	[sflag:s0] =	ssyncadd.s32 @!p0 s1  }
0xd7: {  	[bflag:$0x3] =	sbarrier.arrive $0xFFFF  }
0xd8: {  	_ =	shalt  }

</sc_bundles>
